<compile_context>
chip_gen: v7x
topology: tpu7x:2x2x1
jax: 0.10.2.dev20260603
libtpu: 0.0.44.dev20260713+nightly
codegen_flags: <defaults>
</compile_context>

<pallas_src>
import functools

import jax
import jax.numpy as jnp
from jax import lax
from jax.experimental import pallas as pl
from jax.experimental.pallas import tpu as pltpu
from jax.experimental.pallas import tpu_sc as plsc

N = 819200
NOFF = 16384
TOTAL = 2 * N
NC = 1
NS = 16
NW = NC * NS
OCHUNK = NOFF // NW
LANES = 16

COLS = 128
ROWS = N // COLS
GRID = 2
BROWS = ROWS // GRID

_MESH = plsc.VectorSubcoreMesh(core_axis_name="c", subcore_axis_name="s",
                               num_cores=NC)


@functools.partial(
    pl.kernel,
    out_type=jax.ShapeDtypeStruct((2 * NOFF + 1,), jnp.int32),
    mesh=_MESH,
    scratch_types=[
        pltpu.VMEM((OCHUNK,), jnp.int32),
        pltpu.VMEM((OCHUNK + LANES,), jnp.int32),
        pltpu.SemaphoreType.DMA,
        pltpu.SemaphoreType.DMA,
        pltpu.SemaphoreType.DMA,
    ],
)
def _combine_offsets(off0, off1, out_off, bo0, bo1, ssem, g0, g1):
    wid = lax.axis_index("s") * NC + lax.axis_index("c")
    obase = wid * OCHUNK

    cg0 = pltpu.async_copy(off0.at[pl.ds(obase, OCHUNK)], bo0, g0)
    cg1 = pltpu.async_copy(off1.at[pl.ds(obase, OCHUNK)],
                           bo1.at[pl.ds(0, OCHUNK)], g1)

    cg0.wait()
    so = pltpu.async_copy(bo0, out_off.at[pl.ds(obase, OCHUNK)], ssem)

    cg1.wait()

    def _rebase(i, carry):
        osl = pl.ds(i * LANES, LANES)
        bo1[osl] = bo1[osl] + jnp.int32(N)
        return carry

    lax.fori_loop(0, OCHUNK // LANES, _rebase, 0)
    bo1[pl.ds(OCHUNK, LANES)] = jnp.full((LANES,), TOTAL, dtype=jnp.int32)

    s1 = pltpu.async_copy(bo1.at[pl.ds(0, OCHUNK)],
                          out_off.at[pl.ds(NOFF + obase, OCHUNK)], ssem)

    @pl.when(wid == NW - 1)
    def _():
        pltpu.async_copy(bo1.at[pl.ds(OCHUNK, 1)],
                         out_off.at[pl.ds(2 * NOFF, 1)], ssem).wait()

    so.wait()
    s1.wait()


def _concat_body(i0_ref, i1_ref, w0_ref, w1_ref, ci_ref, cw_ref):
    ci_ref[0] = i0_ref[...]
    ci_ref[1] = i1_ref[...]
    cw_ref[0] = w0_ref[...]
    cw_ref[1] = w1_ref[...]


_concat_streams = pl.pallas_call(
    _concat_body,
    grid=(GRID,),
    in_specs=[
        pl.BlockSpec((BROWS, COLS), lambda i: (i, 0)),
        pl.BlockSpec((BROWS, COLS), lambda i: (i, 0)),
        pl.BlockSpec((BROWS, COLS), lambda i: (i, 0)),
        pl.BlockSpec((BROWS, COLS), lambda i: (i, 0)),
    ],
    out_specs=[
        pl.BlockSpec((2, BROWS, COLS), lambda i: (0, i, 0)),
        pl.BlockSpec((2, BROWS, COLS), lambda i: (0, i, 0)),
    ],
    out_shape=[
        jax.ShapeDtypeStruct((2, ROWS, COLS), jnp.int32),
        jax.ShapeDtypeStruct((2, ROWS, COLS), jnp.float32),
    ],
)


def kernel(indices_0, indices_1, offsets_0, offsets_1,
           per_sample_weights_0, per_sample_weights_1):
    combined_offsets = _combine_offsets(offsets_0, offsets_1)
    ci, cw = _concat_streams(
        indices_0.astype(jnp.int32).reshape(ROWS, COLS),
        indices_1.astype(jnp.int32).reshape(ROWS, COLS),
        per_sample_weights_0.reshape(ROWS, COLS),
        per_sample_weights_1.reshape(ROWS, COLS),
    )
    return ci.reshape(TOTAL), combined_offsets, cw.reshape(TOTAL)

# --- scband reference (transcript-rebuilt; emitter-appended) ---
"""Pipeline reference for scband-tbeinput-prepare-reference-12472585028199 (READ-ONLY COPY).

The authoritative reference and input builder live on the scoring server;
editing this copy changes nothing except your own understanding.
"""

import jax, jax.numpy as jnp
import numpy as np

INCLUDE_LAST_OFFSETS = [True, True]

def setup_inputs(seed: int = 0) -> dict:
    key = jax.random.key(seed)
    k0, k1, k2, k3, k4, k5 = jax.random.split(key, 6)
    indices_0 = jax.random.randint(k0, (819200,), 0, 1000000, dtype=jnp.int32)
    indices_1 = jax.random.randint(k1, (819200,), 0, 1000000, dtype=jnp.int32)
    offsets_0 = jnp.sort(jax.random.randint(k2, (16385,), 0, 819200, dtype=jnp.int32))
    offsets_1 = jnp.sort(jax.random.randint(k3, (16385,), 0, 819200, dtype=jnp.int32))
    per_sample_weights_0 = jax.random.uniform(k4, (819200,), dtype=jnp.float32)
    per_sample_weights_1 = jax.random.uniform(k5, (819200,), dtype=jnp.float32)
    return {
        'indices_0': indices_0,
        'indices_1': indices_1,
        'offsets_0': offsets_0,
        'offsets_1': offsets_1,
        'per_sample_weights_0': per_sample_weights_0,
        'per_sample_weights_1': per_sample_weights_1,
    }

def reference(indices_0, indices_1, offsets_0, offsets_1, per_sample_weights_0, per_sample_weights_1):
    indices_list = [indices_0, indices_1]
    offsets_list = [offsets_0, offsets_1]
    psw_list = [per_sample_weights_0, per_sample_weights_1]
    include_last_offsets = INCLUDE_LAST_OFFSETS

    # combined indices (cast to int32 like the torch out=int32 cat)
    combined_indices = jnp.concatenate([t.astype(jnp.int32) for t in indices_list])

    # static offset bookkeeping (shapes known at trace time)
    offsets_starts = [0]
    offsets_accs = [0]
    for i, inc in enumerate(include_last_offsets):
        if inc:
            offsets_starts.append(offsets_starts[-1] + offsets_list[i].shape[0] - 1)
        else:
            offsets_starts.append(offsets_starts[-1] + offsets_list[i].shape[0])
        offsets_accs.append(offsets_accs[-1] + indices_list[i].shape[0])
    assert offsets_accs[-1] == combined_indices.shape[0]

    combined_offsets = jnp.zeros((offsets_starts[-1] + 1,), dtype=jnp.int32)
    for i in range(len(include_last_offsets)):
        n = offsets_starts[i + 1] - offsets_starts[i]
        seg = offsets_list[i][:n].astype(jnp.int32) + jnp.int32(offsets_accs[i])
        combined_offsets = combined_offsets.at[offsets_starts[i]:offsets_starts[i + 1]].set(seg)
    combined_offsets = combined_offsets.at[-1].set(jnp.int32(offsets_accs[-1]))

    # per-sample weights: ones fill, then overwrite per-table slices (matches torch logic)
    per_sample_weights = None
    for i in range(len(include_last_offsets)):
        if psw_list[i].shape[0] > 0:
            per_sample_weights = jnp.ones((combined_indices.shape[0],), dtype=psw_list[i].dtype)
            break
    if per_sample_weights is not None:
        for i in range(len(include_last_offsets)):
            if psw_list[i].shape[0] > 0:
                per_sample_weights = per_sample_weights.at[offsets_accs[i]:offsets_accs[i + 1]].set(psw_list[i])

    return combined_indices, combined_offsets, per_sample_weights

if __name__ == "__main__":
    import jax
    _d = setup_inputs()
    print(jax.jit(kernel)(*tuple(_d.values())))

</pallas_src>

<mosaic_0001>
#map = affine_map<(d0, d1) -> (0)>
module attributes {stable_mosaic.version = 14 : i64} {
  func.func @_combine_offsets(%arg0: i32, %arg1: i32, %arg2: memref<16385xi32, #tpu.memory_space<hbm>>, %arg3: memref<16385xi32, #tpu.memory_space<hbm>>, %arg4: memref<32769xi32, #tpu.memory_space<hbm>>, %arg5: memref<1024xi32, #tpu.memory_space<vmem>>, %arg6: memref<1040xi32, #tpu.memory_space<vmem>>, %arg7: memref<!tpu.dma_semaphore, #tpu.memory_space<semaphore_mem>>, %arg8: memref<!tpu.dma_semaphore, #tpu.memory_space<semaphore_mem>>, %arg9: memref<!tpu.dma_semaphore, #tpu.memory_space<semaphore_mem>>) attributes {dimension_semantics = [#tpu.dimension_semantics<core_parallel>, #tpu.dimension_semantics<subcore_parallel>], iteration_bounds = array<i64: 1, 16>, scalar_prefetch = 0 : i64, scratch_operands = 5 : i64, tpu.core_type = #tpu.core_type<sc_vector_subcore>, window_params = [{transform_indices = #map}, {transform_indices = #map}, {transform_indices = #map}]} {
    %mul3A = arith.constant 1 : i32
    %mul3A_0 = arith.muli %arg1, %mul3A : i32
    %add3A = arith.addi %mul3A_0, %arg0 : i32
    %mul3A_1 = arith.constant 1024 : i32
    %mul3A_2 = arith.muli %add3A, %mul3A_1 : i32
    %dma_start3A = tpu.memref_slice %arg2[%mul3A_2] : memref<16385xi32, #tpu.memory_space<hbm>> -> memref<1024xi32, #tpu.memory_space<hbm>>
    %dma_start3A_3 = tpu.memref_slice %arg2[%mul3A_2] : memref<16385xi32, #tpu.memory_space<hbm>> -> memref<1024xi32, #tpu.memory_space<hbm>>
    tpu.enqueue_dma source(%dma_start3A_3 : memref<1024xi32, #tpu.memory_space<hbm>>) target(%arg5 : memref<1024xi32, #tpu.memory_space<vmem>>) target_semaphore(%arg8 : memref<!tpu.dma_semaphore, #tpu.memory_space<semaphore_mem>>)
    %dma_start3A_4 = arith.constant 0 : i32
    %dma_start3A_5 = tpu.memref_slice %arg6[%dma_start3A_4] : memref<1040xi32, #tpu.memory_space<vmem>> -> memref<1024xi32, #tpu.memory_space<vmem>>
    %dma_start3A_6 = tpu.memref_slice %arg3[%mul3A_2] : memref<16385xi32, #tpu.memory_space<hbm>> -> memref<1024xi32, #tpu.memory_space<hbm>>
    %dma_start3A_7 = arith.constant 0 : i32
    %dma_start3A_8 = tpu.memref_slice %arg6[%dma_start3A_7] : memref<1040xi32, #tpu.memory_space<vmem>> -> memref<1024xi32, #tpu.memory_space<vmem>>
    %dma_start3A_9 = tpu.memref_slice %arg3[%mul3A_2] : memref<16385xi32, #tpu.memory_space<hbm>> -> memref<1024xi32, #tpu.memory_space<hbm>>
    tpu.enqueue_dma source(%dma_start3A_9 : memref<1024xi32, #tpu.memory_space<hbm>>) target(%dma_start3A_8 : memref<1024xi32, #tpu.memory_space<vmem>>) target_semaphore(%arg9 : memref<!tpu.dma_semaphore, #tpu.memory_space<semaphore_mem>>)
    %dma_wait3A = tpu.memref_slice %arg2[%mul3A_2] : memref<16385xi32, #tpu.memory_space<hbm>> -> memref<1024xi32, #tpu.memory_space<hbm>>
    %dma_wait3A_10 = tpu.memref_slice %arg2[%mul3A_2] : memref<16385xi32, #tpu.memory_space<hbm>> -> memref<1024xi32, #tpu.memory_space<hbm>>
    tpu.wait_dma2 semaphore(%arg8 : memref<!tpu.dma_semaphore, #tpu.memory_space<semaphore_mem>>) src(%dma_wait3A_10 : memref<1024xi32, #tpu.memory_space<hbm>>) dst(%arg5 : memref<1024xi32, #tpu.memory_space<vmem>>)
    %dma_start3A_11 = tpu.memref_slice %arg4[%mul3A_2] : memref<32769xi32, #tpu.memory_space<hbm>> -> memref<1024xi32, #tpu.memory_space<hbm>>
    %dma_start3A_12 = tpu.memref_slice %arg4[%mul3A_2] : memref<32769xi32, #tpu.memory_space<hbm>> -> memref<1024xi32, #tpu.memory_space<hbm>>
    tpu.enqueue_dma source(%arg5 : memref<1024xi32, #tpu.memory_space<vmem>>) target(%dma_start3A_12 : memref<1024xi32, #tpu.memory_space<hbm>>) target_semaphore(%arg7 : memref<!tpu.dma_semaphore, #tpu.memory_space<semaphore_mem>>)
    %dma_wait3A_13 = arith.constant 0 : i32
    %dma_wait3A_14 = tpu.memref_slice %arg6[%dma_wait3A_13] : memref<1040xi32, #tpu.memory_space<vmem>> -> memref<1024xi32, #tpu.memory_space<vmem>>
    %dma_wait3A_15 = tpu.memref_slice %arg3[%mul3A_2] : memref<16385xi32, #tpu.memory_space<hbm>> -> memref<1024xi32, #tpu.memory_space<hbm>>
    %dma_wait3A_16 = arith.constant 0 : i32
    %dma_wait3A_17 = tpu.memref_slice %arg6[%dma_wait3A_16] : memref<1040xi32, #tpu.memory_space<vmem>> -> memref<1024xi32, #tpu.memory_space<vmem>>
    %dma_wait3A_18 = tpu.memref_slice %arg3[%mul3A_2] : memref<16385xi32, #tpu.memory_space<hbm>> -> memref<1024xi32, #tpu.memory_space<hbm>>
    tpu.wait_dma2 semaphore(%arg9 : memref<!tpu.dma_semaphore, #tpu.memory_space<semaphore_mem>>) src(%dma_wait3A_18 : memref<1024xi32, #tpu.memory_space<hbm>>) dst(%dma_wait3A_17 : memref<1024xi32, #tpu.memory_space<vmem>>)
    %scan3A = arith.constant 0 : i32
    %scan3A_19 = arith.constant 0 : i32
    %scan3A_20 = arith.constant 64 : i32
    %scan3A_21 = arith.addi %scan3A_19, %scan3A_20 : i32
    %scan3A_22 = arith.constant 1 : i32
    scf.for %scan3A_46 = %scan3A_19 to %scan3A_21 step %scan3A_22  : i32 {
      %mul3A_47 = arith.constant 16 : i32
      %mul3A_48 = arith.muli %scan3A_46, %mul3A_47 : i32
      %get3A = arith.index_cast %mul3A_48 : i32 to index
      %get3A_49 = tpu.vector_load %arg6[%get3A] {strides = array<i32>} : memref<1040xi32, #tpu.memory_space<vmem>>, vector<16xi32>,
      %get3A_50 = vector.shape_cast %get3A_49 : vector<16xi32> to vector<16xi32>
      %add3A_51 = arith.constant 819200 : i32
      %add3A_52 = vector.broadcast %add3A_51 : i32 to vector<16xi32>
      %add3A_53 = arith.addi %get3A_50, %add3A_52 : vector<16xi32>
      %swap3A_54 = arith.index_cast %mul3A_48 : i32 to index
      %swap3A_55 = tpu.vector_load %arg6[%swap3A_54] {strides = array<i32>} : memref<1040xi32, #tpu.memory_space<vmem>>, vector<16xi32>,
      %swap3A_56 = vector.shape_cast %swap3A_55 : vector<16xi32> to vector<16xi32>
      %swap3A_57 = vector.shape_cast %add3A_53 : vector<16xi32> to vector<16xi32>
      tpu.vector_store %arg6[%swap3A_54], %swap3A_57 {strides = array<i32>} : memref<1040xi32, #tpu.memory_space<vmem>>, vector<16xi32>,
    }
    %scan3A_23 = arith.constant 64 : i32
    %broadcast_in_dim3A = arith.constant 1638400 : i32
    %broadcast_in_dim3A_24 = vector.broadcast %broadcast_in_dim3A : i32 to vector<16xi32>
    %swap3A = arith.constant 1024 : index
    %swap3A_25 = tpu.vector_load %arg6[%swap3A] {strides = array<i32>} : memref<1040xi32, #tpu.memory_space<vmem>>, vector<16xi32>,
    %swap3A_26 = vector.shape_cast %swap3A_25 : vector<16xi32> to vector<16xi32>
    %swap3A_27 = vector.shape_cast %broadcast_in_dim3A_24 : vector<16xi32> to vector<16xi32>
    tpu.vector_store %arg6[%swap3A], %swap3A_27 {strides = array<i32>} : memref<1040xi32, #tpu.memory_space<vmem>>, vector<16xi32>,
    %add3A_28 = arith.constant 16384 : i32
    %add3A_29 = arith.addi %add3A_28, %mul3A_2 : i32
    %dma_start3A_30 = arith.constant 0 : i32
    %dma_start3A_31 = tpu.memref_slice %arg6[%dma_start3A_30] : memref<1040xi32, #tpu.memory_space<vmem>> -> memref<1024xi32, #tpu.memory_space<vmem>>
    %dma_start3A_32 = tpu.memref_slice %arg4[%add3A_29] : memref<32769xi32, #tpu.memory_space<hbm>> -> memref<1024xi32, #tpu.memory_space<hbm>>
    %dma_start3A_33 = tpu.memref_slice %arg4[%add3A_29] : memref<32769xi32, #tpu.memory_space<hbm>> -> memref<1024xi32, #tpu.memory_space<hbm>>
    %dma_start3A_34 = arith.constant 0 : i32
    %dma_start3A_35 = tpu.memref_slice %arg6[%dma_start3A_34] : memref<1040xi32, #tpu.memory_space<vmem>> -> memref<1024xi32, #tpu.memory_space<vmem>>
    tpu.enqueue_dma source(%dma_start3A_35 : memref<1024xi32, #tpu.memory_space<vmem>>) target(%dma_start3A_33 : memref<1024xi32, #tpu.memory_space<hbm>>) target_semaphore(%arg7 : memref<!tpu.dma_semaphore, #tpu.memory_space<semaphore_mem>>)
    %eq3A = arith.constant 15 : i32
    %eq3A_36 = arith.cmpi eq, %add3A, %eq3A : i32
    %convert_element_type3A = arith.extui %eq3A_36 : i1 to i32
    %cond3A = arith.constant 0 : i32
    %cond3A_37 = arith.cmpi ne, %convert_element_type3A, %cond3A : i32
    scf.if %cond3A_37 {
      %dma_start3A_46 = arith.constant 1024 : i32
      %dma_start3A_47 = tpu.memref_slice %arg6[%dma_start3A_46] : memref<1040xi32, #tpu.memory_space<vmem>> -> memref<1xi32, #tpu.memory_space<vmem>>
      %dma_start3A_48 = arith.constant 32768 : i32
      %dma_start3A_49 = tpu.memref_slice %arg4[%dma_start3A_48] : memref<32769xi32, #tpu.memory_space<hbm>> -> memref<1xi32, #tpu.memory_space<hbm>>
      %dma_start3A_50 = arith.constant 32768 : i32
      %dma_start3A_51 = tpu.memref_slice %arg4[%dma_start3A_50] : memref<32769xi32, #tpu.memory_space<hbm>> -> memref<1xi32, #tpu.memory_space<hbm>>
      %dma_start3A_52 = arith.constant 1024 : i32
      %dma_start3A_53 = tpu.memref_slice %arg6[%dma_start3A_52] : memref<1040xi32, #tpu.memory_space<vmem>> -> memref<1xi32, #tpu.memory_space<vmem>>
      tpu.enqueue_dma source(%dma_start3A_53 : memref<1xi32, #tpu.memory_space<vmem>>) target(%dma_start3A_51 : memref<1xi32, #tpu.memory_space<hbm>>) target_semaphore(%arg7 : memref<!tpu.dma_semaphore, #tpu.memory_space<semaphore_mem>>)
      %dma_wait3A_54 = arith.constant 1024 : i32
      %dma_wait3A_55 = tpu.memref_slice %arg6[%dma_wait3A_54] : memref<1040xi32, #tpu.memory_space<vmem>> -> memref<1xi32, #tpu.memory_space<vmem>>
      %dma_wait3A_56 = arith.constant 32768 : i32
      %dma_wait3A_57 = tpu.memref_slice %arg4[%dma_wait3A_56] : memref<32769xi32, #tpu.memory_space<hbm>> -> memref<1xi32, #tpu.memory_space<hbm>>
      %dma_wait3A_58 = arith.constant 32768 : i32
      %dma_wait3A_59 = tpu.memref_slice %arg4[%dma_wait3A_58] : memref<32769xi32, #tpu.memory_space<hbm>> -> memref<1xi32, #tpu.memory_space<hbm>>
      %dma_wait3A_60 = arith.constant 1024 : i32
      %dma_wait3A_61 = tpu.memref_slice %arg6[%dma_wait3A_60] : memref<1040xi32, #tpu.memory_space<vmem>> -> memref<1xi32, #tpu.memory_space<vmem>>
      tpu.wait_dma2 semaphore(%arg7 : memref<!tpu.dma_semaphore, #tpu.memory_space<semaphore_mem>>) src(%dma_wait3A_61 : memref<1xi32, #tpu.memory_space<vmem>>) dst(%dma_wait3A_59 : memref<1xi32, #tpu.memory_space<hbm>>)
    } else {
    }
    %dma_wait3A_38 = tpu.memref_slice %arg4[%mul3A_2] : memref<32769xi32, #tpu.memory_space<hbm>> -> memref<1024xi32, #tpu.memory_space<hbm>>
    %dma_wait3A_39 = tpu.memref_slice %arg4[%mul3A_2] : memref<32769xi32, #tpu.memory_space<hbm>> -> memref<1024xi32, #tpu.memory_space<hbm>>
    tpu.wait_dma2 semaphore(%arg7 : memref<!tpu.dma_semaphore, #tpu.memory_space<semaphore_mem>>) src(%arg5 : memref<1024xi32, #tpu.memory_space<vmem>>) dst(%dma_wait3A_39 : memref<1024xi32, #tpu.memory_space<hbm>>)
    %dma_wait3A_40 = arith.constant 0 : i32
    %dma_wait3A_41 = tpu.memref_slice %arg6[%dma_wait3A_40] : memref<1040xi32, #tpu.memory_space<vmem>> -> memref<1024xi32, #tpu.memory_space<vmem>>
    %dma_wait3A_42 = tpu.memref_slice %arg4[%add3A_29] : memref<32769xi32, #tpu.memory_space<hbm>> -> memref<1024xi32, #tpu.memory_space<hbm>>
    %dma_wait3A_43 = tpu.memref_slice %arg4[%add3A_29] : memref<32769xi32, #tpu.memory_space<hbm>> -> memref<1024xi32, #tpu.memory_space<hbm>>
    %dma_wait3A_44 = arith.constant 0 : i32
    %dma_wait3A_45 = tpu.memref_slice %arg6[%dma_wait3A_44] : memref<1040xi32, #tpu.memory_space<vmem>> -> memref<1024xi32, #tpu.memory_space<vmem>>
    tpu.wait_dma2 semaphore(%arg7 : memref<!tpu.dma_semaphore, #tpu.memory_space<semaphore_mem>>) src(%dma_wait3A_45 : memref<1024xi32, #tpu.memory_space<vmem>>) dst(%dma_wait3A_43 : memref<1024xi32, #tpu.memory_space<hbm>>)
    return
  }
}

module attributes {stable_mosaic.version = 14 : i64} {
  func.func @_concat_body(%arg0: i32, %arg1: memref<3200x128xi32, #tpu.memory_space<vmem>>, %arg2: memref<3200x128xi32, #tpu.memory_space<vmem>>, %arg3: memref<3200x128xf32, #tpu.memory_space<vmem>>, %arg4: memref<3200x128xf32, #tpu.memory_space<vmem>>, %arg5: memref<2x3200x128xi32, #tpu.memory_space<vmem>>, %arg6: memref<2x3200x128xf32, #tpu.memory_space<vmem>>) attributes {dimension_semantics = [#tpu.dimension_semantics<arbitrary>], iteration_bounds = array<i64: 2>, scalar_prefetch = 0 : i64, scratch_operands = 0 : i64, tpu.core_type = #tpu.core_type<tc>, window_params = [{transform_indices = @transform_0, window_bounds = array<i64: 3200, 128>}, {transform_indices = @transform_1, window_bounds = array<i64: 3200, 128>}, {transform_indices = @transform_2, window_bounds = array<i64: 3200, 128>}, {transform_indices = @transform_3, window_bounds = array<i64: 3200, 128>}, {transform_indices = @transform_4, window_bounds = array<i64: 2, 3200, 128>}, {transform_indices = @transform_5, window_bounds = array<i64: 2, 3200, 128>}]} {
    %get3A = arith.constant 0 : index
    %get3A_0 = arith.constant 0 : index
    %get3A_1 = vector.load %arg1[%get3A, %get3A_0] : memref<3200x128xi32, #tpu.memory_space<vmem>>, vector<3200x128xi32>
    %swap3A = arith.constant 0 : index
    %swap3A_2 = arith.constant 0 : index
    %swap3A_3 = arith.constant 0 : index
    %swap3A_4 = vector.load %arg5[%swap3A, %swap3A_2, %swap3A_3] : memref<2x3200x128xi32, #tpu.memory_space<vmem>>, vector<1x3200x128xi32>
    %swap3A_5 = vector.shape_cast %swap3A_4 : vector<1x3200x128xi32> to vector<3200x128xi32>
    %swap3A_6 = vector.shape_cast %get3A_1 : vector<3200x128xi32> to vector<1x3200x128xi32>
    tpu.vector_store %arg5[%swap3A, %swap3A_2, %swap3A_3], %swap3A_6 {strides = array<i32>} : memref<2x3200x128xi32, #tpu.memory_space<vmem>>, vector<1x3200x128xi32>,
    %get3A_7 = arith.constant 0 : index
    %get3A_8 = arith.constant 0 : index
    %get3A_9 = vector.load %arg2[%get3A_7, %get3A_8] : memref<3200x128xi32, #tpu.memory_space<vmem>>, vector<3200x128xi32>
    %swap3A_10 = arith.constant 1 : index
    %swap3A_11 = arith.constant 0 : index
    %swap3A_12 = arith.constant 0 : index
    %swap3A_13 = vector.load %arg5[%swap3A_10, %swap3A_11, %swap3A_12] : memref<2x3200x128xi32, #tpu.memory_space<vmem>>, vector<1x3200x128xi32>
    %swap3A_14 = vector.shape_cast %swap3A_13 : vector<1x3200x128xi32> to vector<3200x128xi32>
    %swap3A_15 = vector.shape_cast %get3A_9 : vector<3200x128xi32> to vector<1x3200x128xi32>
    tpu.vector_store %arg5[%swap3A_10, %swap3A_11, %swap3A_12], %swap3A_15 {strides = array<i32>} : memref<2x3200x128xi32, #tpu.memory_space<vmem>>, vector<1x3200x128xi32>,
    %get3A_16 = arith.constant 0 : index
    %get3A_17 = arith.constant 0 : index
    %get3A_18 = vector.load %arg3[%get3A_16, %get3A_17] : memref<3200x128xf32, #tpu.memory_space<vmem>>, vector<3200x128xf32>
    %swap3A_19 = arith.constant 0 : index
    %swap3A_20 = arith.constant 0 : index
    %swap3A_21 = arith.constant 0 : index
    %swap3A_22 = vector.load %arg6[%swap3A_19, %swap3A_20, %swap3A_21] : memref<2x3200x128xf32, #tpu.memory_space<vmem>>, vector<1x3200x128xf32>
    %swap3A_23 = vector.shape_cast %swap3A_22 : vector<1x3200x128xf32> to vector<3200x128xf32>
    %swap3A_24 = vector.shape_cast %get3A_18 : vector<3200x128xf32> to vector<1x3200x128xf32>
    tpu.vector_store %arg6[%swap3A_19, %swap3A_20, %swap3A_21], %swap3A_24 {strides = array<i32>} : memref<2x3200x128xf32, #tpu.memory_space<vmem>>, vector<1x3200x128xf32>,
    %get3A_25 = arith.constant 0 : index
    %get3A_26 = arith.constant 0 : index
    %get3A_27 = vector.load %arg4[%get3A_25, %get3A_26] : memref<3200x128xf32, #tpu.memory_space<vmem>>, vector<3200x128xf32>
    %swap3A_28 = arith.constant 1 : index
    %swap3A_29 = arith.constant 0 : index
    %swap3A_30 = arith.constant 0 : index
    %swap3A_31 = vector.load %arg6[%swap3A_28, %swap3A_29, %swap3A_30] : memref<2x3200x128xf32, #tpu.memory_space<vmem>>, vector<1x3200x128xf32>
    %swap3A_32 = vector.shape_cast %swap3A_31 : vector<1x3200x128xf32> to vector<3200x128xf32>
    %swap3A_33 = vector.shape_cast %get3A_27 : vector<3200x128xf32> to vector<1x3200x128xf32>
    tpu.vector_store %arg6[%swap3A_28, %swap3A_29, %swap3A_30], %swap3A_33 {strides = array<i32>} : memref<2x3200x128xf32, #tpu.memory_space<vmem>>, vector<1x3200x128xf32>,
    return
  }
  func.func @transform_0(%arg0: i32) -> (i32, i32) {
    %c0_i32 = arith.constant 0 : i32
    %c0_i32_0 = arith.constant 0 : i32
    return %arg0, %c0_i32 : i32, i32
  }
  func.func @transform_1(%arg0: i32) -> (i32, i32) {
    %c0_i32 = arith.constant 0 : i32
    %c0_i32_0 = arith.constant 0 : i32
    return %arg0, %c0_i32 : i32, i32
  }
  func.func @transform_2(%arg0: i32) -> (i32, i32) {
    %c0_i32 = arith.constant 0 : i32
    %c0_i32_0 = arith.constant 0 : i32
    return %arg0, %c0_i32 : i32, i32
  }
  func.func @transform_3(%arg0: i32) -> (i32, i32) {
    %c0_i32 = arith.constant 0 : i32
    %c0_i32_0 = arith.constant 0 : i32
    return %arg0, %c0_i32 : i32, i32
  }
  func.func @transform_4(%arg0: i32) -> (i32, i32, i32) {
    %c0_i32 = arith.constant 0 : i32
    %c0_i32_0 = arith.constant 0 : i32
    %c0_i32_1 = arith.constant 0 : i32
    return %c0_i32, %arg0, %c0_i32_0 : i32, i32, i32
  }
  func.func @transform_5(%arg0: i32) -> (i32, i32, i32) {
    %c0_i32 = arith.constant 0 : i32
    %c0_i32_0 = arith.constant 0 : i32
    %c0_i32_1 = arith.constant 0 : i32
    return %c0_i32, %arg0, %c0_i32_0 : i32, i32, i32
  }
}

</mosaic_0001>

<sc_bundles>
// kernel: kernel.4.cloned.1.call-start
scs
__scs_entry_jumppad:
0x0: {  	(pc) =	sbr.rel $0x88, $3  }
0x1: {  	(tag) =	ssettag $0x0;
	lr =	simm.s32 $0x1  }
0x2: {  	[smem:$0x3F9B] =	sst lr;
	_ =	strace $0xD0000000  }
0x3: {  	_ = 	snop  }
0x4: {  	_ = 	snop  }
0x5: {  	_ = 	snop  }
0x6: {  	_ = 	snop  }
0x7: {  	_ = 	snop  }
__scs_overlays_trampoline_lowered:
0x8: {  	[smem:$0x3FAA] =	sst s0  }
0x9: {  	[smem:$0x3FAB] =	sst s1  }
0xa: {  	[smem:$0x3FAC] =	sst s2  }
0xb: {  	[smem:$0x3FAD] =	sst s3  }
0xc: {  	[smem:$0x3FAE] =	sst s4  }
0xd: {  	[smem:$0x3FAF] =	sst s5  }
0xe: {  	[smem:$0x3FB0] =	sst s6  }
0xf: {  	[smem:$0x3FB1] =	sst s7  }
0x10: {  	[smem:$0x3FB2] =	sst s8  }
0x11: {  	[smem:$0x3FB3] =	sst s9;
	s0 =	simm.s32 @!p0 $0x0  }
0x12: {  	s1 =	sld [smem:$0x3F99];
	s0 =	simm.s32 @p0 $0x1  }
0x13: {  	[smem:$0x3FB4] =	sst s0;
	s0 =	simm.s32 @!p1 $0x0  }
0x14: {  	s2 =	sld [smem:$0x3F98];
	s0 =	simm.s32 @p1 $0x1  }
0x15: {  	[smem:$0x3FB5] =	sst s0;
	s0 =	simm.s32 @!p2 $0x0  }
0x16: {  	s3 =	sld [smem:$0x3FDB];
	s0 =	simm.s32 @p2 $0x1  }
0x17: {  	s4 =	simm.s32 $0x1BF5;
	[smem:$0x3FB7] =	sst s0  }
0x18: {  	s0 =	sld [smem:$0x3F9A];
	_ =	swait.ge [sflag:s4], $0x0  }
0x19: {  	s7 =	sld [smem:$0x3F9B]  }
0x1a: {  	s8 =	sadd.s32 $0xFFFFE003, lr  }
0x1b: {  	s9 =	sadd.s32 $0xFFFFFEF7, lr;
	s5 =	simm.s32 $0xFFFFFFFF;
	p2 =	slt.u32 s8, $0xFFFFF086  }
0x1c: {  	p1 =	slt.u32 s9, $0xF7A;
	s5 =	simm.s32 @!p2 $0x0  }
0x1d: {  	s5 =	simm.s32 @p1 $0x1;
	p0 =	seq.s32 s7, s2  }
0x1e: {  	s7 =	smul.u32 @!p0 $0xF7A, s2;
	p2 =	seq.s32 @!p0 s5, $0x0  }
0x1f: {  	s9 =	smul.u32 $0xF7A, s1;
	s8 =	simm.s32 @!p0 $0x1BF5;
	p2 =	por !p2, p0  }
0x20: {  	[sflag:s8] =	ssyncset.s32 @!p0 $0xFFFFF086;
	s6 =	sadd.s32 @!p0 s3, s7;
	s7 =	simm.s32 @!p0 $0x108  }
0x21: {  	s3 =	sadd.s32 s3, s9;
	s6 =	sadd.s32 @!p0 $0x88, s6;
	s7 =	simm.s32 @p2 $0x1082  }
0x22: {  	[simem:s7], [sflag:s8] =	dma.local @!p0 [hbm:s6], $0xF7A  }
0x23: {  	s9 =	sor.u32 $0xD0000000, s2;
	s6 =	simm.s32 $0x108;
	_ =	swait.ge @!p0 [sflag:s8], $0x0  }
0x24: {  	s3 =	sadd.s32 $0x88, s3;
	s6 =	simm.s32 @!p1 $0x1082;
	[sflag:s4] =	ssyncset.s32 $0xFFFFF086  }
0x25: {  	[simem:s6], [sflag:s4] =	dma.local [hbm:s3], $0xF7A  }
0x26: {  	[smem:$0x3F9B] =	sst s1;
	(tag) =	ssettag s2;
	_ =	strace s9  }
0x27: {  	s1 =	sld [smem:$0x3FAB]  }
0x28: {  	s2 =	sld [smem:$0x3FAC]  }
0x29: {  	s4 =	sld [smem:$0x3FAE]  }
0x2a: {  	p0 =	seq.s32 s5, $0x0;
	s5 =	sld [smem:$0x3FAF]  }
0x2b: {  	s6 =	sld [smem:$0x3FB0]  }
0x2c: {  	s7 =	sld [smem:$0x3FB1]  }
0x2d: {  	s3 =	simm.s32 $0x108;
	s8 =	sld [smem:$0x3FB2]  }
0x2e: {  	s3 =	simm.s32 @!p0 $0x1082;
	s9 =	sld [smem:$0x3FB3]  }
0x2f: {  	lr =	sadd.s32 s0, s3;
	s0 =	sld [smem:$0x3FAA]  }
0x30: {  	s3 =	sld [smem:$0x3FAD]  }
0x31: {  	[smem:$0x3FB6] =	sst s10  }
0x32: {  	s10 =	sld [smem:$0x3FB4];
	_ =	sdelay $0x3  }
0x33: {  	p0 =	seq.s32 s10, $0x1;
	s10 =	sld [smem:$0x3FB6];
	_ =	sdelay $0x3  }
0x34: {  	[smem:$0x3FB6] =	sst s10  }
0x35: {  	s10 =	sld [smem:$0x3FB5];
	_ =	sdelay $0x3  }
0x36: {  	p1 =	seq.s32 s10, $0x1;
	s10 =	sld [smem:$0x3FB6];
	_ =	sdelay $0x3  }
0x37: {  	[smem:$0x3FB6] =	sst s10  }
0x38: {  	s10 =	sld [smem:$0x3FB7]  }
0x39: {  	_ = 	snop;
	(pc) =	sbr.ind lr, $3  }
0x3a: {  	_ = 	snop  }
0x3b: {  	_ = 	snop  }
0x3c: {  	p2 =	seq.s32 s10, $0x1;
	s10 =	sld [smem:$0x3FB6]  }
0x3d: {  	_ =	shalt  }
0x3e: {  	_ =	shalt  }
0x3f: {  	_ =	shalt  }
0x40: {  	_ =	shalt  }
0x41: {  	_ =	shalt  }
0x42: {  	_ =	shalt  }
0x43: {  	_ =	shalt  }
0x44: {  	_ =	shalt  }
0x45: {  	_ =	shalt  }
0x46: {  	_ =	shalt  }
0x47: {  	_ =	shalt  }
0x48: {  	_ =	shalt  }
0x49: {  	_ =	shalt  }
0x4a: {  	_ =	shalt  }
0x4b: {  	_ =	shalt  }
0x4c: {  	_ =	shalt  }
0x4d: {  	_ =	shalt  }
0x4e: {  	_ =	shalt  }
0x4f: {  	_ =	shalt  }
0x50: {  	_ =	shalt  }
0x51: {  	_ =	shalt  }
0x52: {  	_ =	shalt  }
0x53: {  	_ =	shalt  }
0x54: {  	_ =	shalt  }
0x55: {  	_ =	shalt  }
0x56: {  	_ =	shalt  }
0x57: {  	_ =	shalt  }
0x58: {  	_ =	shalt  }
0x59: {  	_ =	shalt  }
0x5a: {  	_ =	shalt  }
0x5b: {  	_ =	shalt  }
0x5c: {  	_ =	shalt  }
0x5d: {  	_ =	shalt  }
0x5e: {  	_ =	shalt  }
0x5f: {  	_ =	shalt  }
0x60: {  	_ =	shalt  }
0x61: {  	_ =	shalt  }
0x62: {  	_ =	shalt  }
0x63: {  	_ =	shalt  }
0x64: {  	_ =	shalt  }
0x65: {  	_ =	shalt  }
0x66: {  	_ =	shalt  }
0x67: {  	_ =	shalt  }
0x68: {  	_ =	shalt  }
0x69: {  	_ =	shalt  }
0x6a: {  	_ =	shalt  }
0x6b: {  	_ =	shalt  }
0x6c: {  	_ =	shalt  }
0x6d: {  	_ =	shalt  }
0x6e: {  	_ =	shalt  }
0x6f: {  	_ =	shalt  }
0x70: {  	_ =	shalt  }
0x71: {  	_ =	shalt  }
0x72: {  	_ =	shalt  }
0x73: {  	_ =	shalt  }
0x74: {  	_ =	shalt  }
0x75: {  	_ =	shalt  }
0x76: {  	_ =	shalt  }
0x77: {  	_ =	shalt  }
0x78: {  	_ =	shalt  }
0x79: {  	_ =	shalt  }
0x7a: {  	_ =	shalt  }
0x7b: {  	_ =	shalt  }
0x7c: {  	_ =	shalt  }
0x7d: {  	_ =	shalt  }
0x7e: {  	_ =	shalt  }
0x7f: {  	_ =	shalt  }
0x80: {  	_ =	shalt  }
0x81: {  	_ =	shalt  }
0x82: {  	_ =	shalt  }
0x83: {  	_ =	shalt  }
0x84: {  	_ =	shalt  }
0x85: {  	_ =	shalt  }
0x86: {  	_ =	shalt  }
0x87: {  	_ =	shalt  }
.Lfunc_end0:
.L_simem_size_0:
called_computation_lowered:
.L_overlay_start_0:
0x88: {  	s0 =	sld [smem:$0x3FD9]  }
0x89: {  	s1 =	sld [smem:$0x3FFE];
	_ =	sdelay $0x3  }
0x8a: {  	s0 =	sadd.s32 s1, s0  }
0x8b: {  	[smem:$0x3FC2] =	sst s0  }
0x8c: {  	_ = 	snop  }
0x8d: {  	s0 =	sld [smem:$0x3FD0];
	_ =	sdelay $0x1  }
0x8e: {  	s14 =	sld [smem:$0x3FC7]  }
0x8f: {  	s3 =	simm.s32 $0xA;
	s4 =	simm.s32 $0x10;
	s2 =	sld [smem:$0x3FC6]  }
0x90: {  	[smem:s4], [sflag:s3] =	dma.local [hbm:s0], $0x1  }
0x91: {  	_ =	swait.eq [sflag:s3], $0x1  }
0x92: {  	[sflag:s3] =	ssyncset.done $0x0  }
0x93: {  	[sflag:s3] =	ssyncadd.s32 $0xFFFFFFFF  }
0x94: {  	s15 =	sld [smem:$0x11];
	(tm) =	ssettm $0x1  }
0x95: {  	s16 =	sld [smem:$0x3FFB];
	_ =	sdelay $0x3  }
0x96: {  	_ =	strace s16  }
0x97: {  	s3 =	sld [smem:$0x3FFC];
	_ =	sdelay $0x3  }
0x98: {  	_ =	strace s3  }
0x99: {  	s3 =	sld [smem:$0x3FFD];
	_ =	sdelay $0x3  }
0x9a: {  	_ =	strace s3  }
0x9b: {  	_ =	strace $0x8FFFFFFF  }
0x9c: {  	s17 =	sld [smem:$0x3FDB];
	_ =	sdelay $0x1  }
0x9d: {  	s18 =	simm.s32 $_scs_section_size  }
0x9e: {  	s5 =	simm.s32 $_size__tile_overlayer_lowered;
	s6 =	simm.s32 $_tile_overlayer_lowered  }
0x9f: {  	s21 =	simm.s32 $0x1BFF;
	s20 =	sshll.u32 s6, $0x1;
	s3 =	sadd.s32 s18, s17  }
0xa0: {  	s7 =	simm.s32 $0x0;
	s19 =	sshll.u32 s5, $0x1;
	s5 =	sadd.s32 s20, s3  }
0xa1: {  	[timem:s7], [sflag:s21] =	dma.local [hbm:s5], s19  }
0xa2: {  	_ =	swait.ge [sflag:s21], s19  }
0xa3: {  	s4 =	ssub.s32 $0x0, s19;
	[sflag:s21] =	ssyncset.done $0x0  }
0xa4: {  	[sflag:s21] =	ssyncadd.s32 s4;
	_ =	sdelay $0x1  }
0xa5: {  	s22 =	simm.s32 $0x1B8B  }
0xa6: {  	_ =	swait.ge [sflag:s22], $0x1  }
0xa7: {  	[sflag:s22] =	ssyncset.done $0x0  }
0xa8: {  	s23 =	simm.s32 $0x1B8E;
	[sflag:s22] =	ssyncadd.s32 $0xFFFFFFFF  }
0xa9: {  	s24 =	simm.s32 $execute0_lowered;
	[smem:$0x3FD2] =	sst s23  }
0xaa: {  	s4 =	sshll.u32 s24, $0x1;
	_ =	strace $0x80000046;
	[dreg:$0x1] =	wrdreg $0xFFFFFFFF  }
0xab: {  	s25 =	simm.s32 $_size_execute0_lowered;
	s3 =	sadd.s32 s3, s4;
	[dreg:$0x0] =	wrdreg $0x0  }
0xac: {  	s4 =	sshll.u32 s25, $0x1;
	[dreg:$0x2] =	wrdreg s3  }
0xad: {  	[dreg:$0x3] =	wrdreg s4  }
0xae: {  	[dreg:$0x4] =	wrdreg $0xC0  }
0xaf: {  	_ =	task [dreg:s7], $0x5FFFF  }
0xb0: {  	[dreg:$0x1] =	wrdreg $0xFFFFFFFF  }
0xb1: {  	[dreg:$0x0] =	wrdreg $0x60  }
0xb2: {  	[dreg:$0x2] =	wrdreg s14  }
0xb3: {  	[dreg:$0x3] =	wrdreg s2  }
0xb4: {  	[dreg:$0x4] =	wrdreg s15  }
0xb5: {  	[dreg:$0x5] =	wrdreg $0x9  }
0xb6: {  	_ =	task.clear_ibuf [dreg:s7], $0x6FFFF;
	_ =	strace $0x90000046  }
0xb7: {  	s26 =	simm.s32 $0x9;
	_ =	strace $0x80000048  }
0xb8: {  	_ =	swait.ge [sflag:s26], $0x1  }
0xb9: {  	[sflag:s26] =	ssyncadd.s32 $0xFFFFFFFF  }
0xba: {  	_ =	strace $0x90000048  }
0xbb: {  	_ =	sfence  }
0xbc: {  	s28 =	sld [smem:$0x0];
	_ =	sdelay $0x1  }
0xbd: {  	s29 =	srdreg.scid  }
0xbe: {  	s30 =	sshll.u32 s29, $0xD;
	s31 =	sshrl.u32 s29, $0x2  }
0xbf: {  	s1 =	sand.u32 $0x1, s29;
	s2 =	sand.u32 $0x4000, s30;
	s0 =	sadd.s32 s31, s28  }
0xc0: {  	s1 =	sor.u32 s2, s1;
	s0 =	sshll.u32 s0, $0x11  }
0xc1: {  	s0 =	sor.u32 s0, s1  }
0xc2: {  	s0 =	sadd.s32 $0x8F2B, s0  }
0xc3: {  	[sflag:s0] =	ssyncadd.remote.s32 $0x1  }
0xc4: {  	_ =	sfence.sel $0xFFFF  }
0xc5: {  	[dreg:$0x0] =	wrdreg $0xFFFFFFFF;
	(pc) =	sbr.abs _section_cstart, $3  }
0xc6: {  	[dreg:$0x1] =	wrdreg $0xFFFFFFFF  }
0xc7: {  	_ =	task.clear_ibuf [dreg:s7], $0x2FFFF;
	_ =	strace $0x9FFFFFFF  }
0xc8: {  	(tm) =	ssettm $0x7FFFFFFF  }
0xc9: {  	_ =	shalt  }
tec
execute0_lowered:
.L_overlay_start_1:
0x0: {  	(tag) =	ssettag $0x1  }
0x1: {  	s4 =	rddreg [dreg:$0x0]  }
0x2: {  	s5 =	rddreg [dreg:$0x1]  }
0x3: {  	s2 =	rddreg [dreg:$0x2];
	s6 =	simm.s32 $0x0;
	s1 =	stileid.u32  }
0x4: {  	[smem:$0x7FF] =	sst s6;
	s3 =	sshll.u32 s1, $0x7  }
0x5: {  	s0 =	rddreg [dreg:$0x3];
	_ =	strace $0x80000047;
	s4 =	sadd.s32 s4, s3  }
0x6: {  	[tilespmem:s6], [sflag:$0x2] =	stream.linear.gather [hbm4b:s4+s6], $0x400, $0x38;
	[tilespmem:$0x880] =	vst v63  }
0x7: {  	s28 =	simm.s32 $0x400;
	s29 =	simm.s32 $0x2;
	s26 =	sadd.s32 s5, s3  }
0x8: {  	[tilespmem:s28], [sflag:$0x3] =	stream.linear.gather [hbm4b:s26+s6], $0x400, $0x38;
	[tilespmem:$0x880] =	vst v63  }
0x9: {  	_ =	swait.ge [sflag:s29], $0x400  }
0xa: {  	[sflag:s29] =	ssyncset.done $0x0  }
0xb: {  	s31 =	simm.s32 $0x3;
	s30 =	sadd.s32 s2, s3;
	[sflag:s29] =	ssyncadd.s32 $0xFFFFFC00  }
0xc: {  	[hbm4b:s30+s6] =	stream.linear.scatter [tilespmem:s6], [sflag:$0x1], $0x400, $0x38;
	[tilespmem:$0x880] =	vst v63  }
0xd: {  	_ =	swait.ge [sflag:s31], $0x400  }
0xe: {  	[sflag:s31] =	ssyncset.done $0x0  }
0xf: {  	s5 =	simm.s32 $0x40;
	s4 =	simm.s32 $0x0;
	[sflag:s31] =	ssyncadd.s32 $0xFFFFFC00  }
.LBB2_1:
0x10: {  	p0 =	sne.s32 s5, $0xFC0;
	v0 =	vld [tilespmem:s4+$0x400];
	_ =	sdelay $0x1  }
.Ltmp0:
0x11: {  	(pc) =	sbr.rel @p0 .LBB2_1-.Ltmp0, $3  }
0x12: {  	_ =	sdelay $0x1  }
0x13: {  	v0 =	vadd.s32 $0xC8000, v0  }
0x14: {  	[tilespmem:s4+$0x400] =	vst v0;
	s4 =	sshra.s32 s5, $0x2;
	s5 =	sadd.s32 $0x40, s5  }
0x15: {  	v0 =	vld [tilespmem:s4+$0x400];
	_ =	sdelay $0x4  }
0x16: {  	v0 =	vadd.s32 $0xC8000, v0  }
0x17: {  	s3 =	sadd.s32 s3, s2;
	v63 =	vimm.s32 $0x190000;
	p0 =	sne.s32 s1, $0xF;
	[tilespmem:s4+$0x400] =	vst v0  }
0x18: {  	s30 =	simm.s32 $0x0;
	s5 =	simm.s32 $0x400;
	s3 =	sadd.s32 $0x800, s3;
	[tilespmem:$0x800] =	vst v63  }
0x19: {  	[hbm4b:s3+s30] =	stream.linear.scatter [tilespmem:s5], [sflag:$0x1], $0x400, $0x38;
	[tilespmem:$0x880] =	vst v63  }
0x1a: {  	s2 =	sadd.s32 @!p0 $0x1000, s2;
	s4 =	simm.s32 @!p0 $0x800;
	s3 =	simm.s32 @!p0 $0x0  }
0x1b: {  	[hbm4b:s2+s3] =	stream.linear.scatter @!p0 [tilespmem:s4], [sflag:$0x1], $0x1, $0x38;
	[tilespmem:$0x880] =	vst v63  }
0x1c: {  	s2 =	simm.s32 @!p0 $0x1  }
0x1d: {  	_ =	swait.ge @!p0 [sflag:s2], $0x1  }
0x1e: {  	[sflag:s2] =	ssyncset.done @!p0 $0x0  }
0x1f: {  	s31 =	simm.s32 $0x1;
	[sflag:s2] =	ssyncadd.s32 @!p0 $0xFFFFFFFF  }
0x20: {  	_ =	swait.ge [sflag:s31], $0x400  }
0x21: {  	[sflag:s31] =	ssyncset.done $0x0  }
0x22: {  	[sflag:s31] =	ssyncadd.s32 $0xFFFFFC00  }
0x23: {  	_ =	swait.ge [sflag:s31], $0x400  }
0x24: {  	[sflag:s31] =	ssyncset.done $0x0  }
0x25: {  	[sflag:s31] =	ssyncadd.s32 $0xFFFFFC00  }
0x26: {  	_ =	sfence.sel $0x180000  }
0x27: {  	[bflag:$0x0] =	sbarrier.arrive $0xFFFF  }
0x28: {  	p0 =	sne.s32 s1, $0x0;
	_ =	strace $0x90000047  }
0x29: {  	s0 =	sadd.s32 @!p0 $0x100000, s0;
	[bflag:$0x2] =	sbarrier.arrive $0xFFFF  }
0x2a: {  	[sflag:s0] =	ssyncadd.tile.s32 @!p0 $0x1;
	_ =	shalt  }
.Lfunc_end2:
_tile_overlayer_lowered:
.L_overlay_start_2:
0x2b: {  	(tag) =	ssettag $0x2  }
0x2c: {  	s0 =	rddreg [dreg:$0x0];
	s2 =	stileid.u32  }
0x2d: {  	s1 =	rddreg [dreg:$0x1];
	p0 =	sne.s32 s2, $0x0  }
0x2e: {  	s3 =	rddreg [dreg:$0x2];
	[bflag:$0x3] =	sbarrier.arrive $0xFFFF;
	s2 =	simm.s32 @!p0 $0x1C04  }
0x2f: {  	[timem:s3], [sflag:s2] =	dma.local @!p0 [hbm:s0], s1  }
0x30: {  	s0 =	simm.s32 @!p0 $0x4  }
0x31: {  	_ =	swait.ge @!p0 [sflag:s0], s1  }
0x32: {  	s1 =	ssub.s32 @!p0 $0x0, s1;
	[sflag:s0] =	ssyncset.done @!p0 $0x0  }
0x33: {  	[sflag:s0] =	ssyncadd.s32 @!p0 s1  }
0x34: {  	[bflag:$0x3] =	sbarrier.arrive $0xFFFF  }
0x35: {  	_ =	shalt  }

</sc_bundles>
